<compile_context>
chip_gen: v7x
topology: tpu7x:2x2x1
jax: 0.10.2.dev20260603
libtpu: 0.0.44.dev20260713+nightly
codegen_flags: <defaults>
</compile_context>

<pallas_src>
import jax
import jax.numpy as jnp
from jax import lax
from jax.experimental import pallas as pl
from jax.experimental.pallas import tpu as pltpu
from jax.experimental.pallas import tpu_sc as plsc

G = 2
V = 320
GV = G * V
D = 128
H = 512
TOKENS = 4 * 2048
TILE = 1024
NT = TOKENS // TILE


def _split_rows(offset):
    i = lax.broadcasted_iota(jnp.int32, (1, V), 1) + offset
    lo = (i & 255).astype(jnp.float32)
    hi = (i & ~255).astype(jnp.float32)
    return jnp.concatenate([lo, hi], axis=0)


def _proj_argmax_body(hs_ref, w_ref, b_ref, idx_hbm, plx_ref, counts_ref,
                      rows_scr, sem):
    t = pl.program_id(0)

    @pl.when(t == 0)
    def _init():
        counts_ref[...] = jnp.zeros_like(counts_ref)

    logits = lax.dot_general(
        hs_ref[...], w_ref[...],
        dimension_numbers=(((1,), (1,)), ((), ())),
        preferred_element_type=jnp.float32,
    ) + b_ref[...].reshape(1, GV)

    iota_r = lax.broadcasted_iota(jnp.int32, (1, V), 1).astype(jnp.float32)
    vf = jnp.float32(V)

    l0 = logits[:, :V]
    l1 = logits[:, V:]
    m0 = jnp.max(l0, axis=-1, keepdims=True)
    m1 = jnp.max(l1, axis=-1, keepdims=True)
    c0 = jnp.min(jnp.where(l0 == m0, iota_r, vf), axis=-1, keepdims=True)
    c1 = jnp.min(jnp.where(l1 == m1, iota_r, vf), axis=-1, keepdims=True)
    oh0 = (iota_r == c0).astype(jnp.float32)
    oh1 = (iota_r == c1).astype(jnp.float32)

    ones_t = jnp.ones((1, TILE), jnp.float32)
    inc0 = lax.dot_general(ones_t, oh0, (((1,), (0,)), ((), ())),
                           preferred_element_type=jnp.float32)
    inc1 = lax.dot_general(ones_t, oh1, (((1,), (0,)), ((), ())),
                           preferred_element_type=jnp.float32)
    counts_ref[...] += jnp.concatenate([inc0, inc1], axis=0)

    p0 = lax.dot_general(_split_rows(0), oh0, (((1,), (1,)), ((), ())),
                         preferred_element_type=jnp.float32)
    p1 = lax.dot_general(_split_rows(V), oh1, (((1,), (1,)), ((), ())),
                         preferred_element_type=jnp.float32)
    r0 = (p0[0:1] + p0[1:2]).astype(jnp.int32)
    r1 = (p1[0:1] + p1[1:2]).astype(jnp.int32)
    rows_scr[pl.ds(t, 1), :] = r0
    rows_scr[pl.ds(NT + t, 1), :] = r1

    @pl.when(t == NT - 1)
    def _finish():
        copy = pltpu.make_async_copy(rows_scr, idx_hbm, sem)
        copy.start()
        p = counts_ref[...] * (1.0 / TOKENS)
        ent = jnp.sum(p * jnp.log(p + 1e-7), axis=-1, keepdims=True)
        plx_ref[...] = jnp.sum(jnp.exp(-ent), axis=0, keepdims=True)
        copy.wait()


def _proj_argmax(hs, w, b):
    return pl.pallas_call(
        _proj_argmax_body,
        grid=(NT,),
        in_specs=[
            pl.BlockSpec((TILE, H), lambda t: (t, 0)),
            pl.BlockSpec((GV, H), lambda t: (0, 0)),
            pl.BlockSpec((GV,), lambda t: (0,)),
        ],
        out_specs=[
            pl.BlockSpec(memory_space=pl.ANY),
            pl.BlockSpec((1, 1), lambda t: (0, 0)),
        ],
        out_shape=[
            jax.ShapeDtypeStruct((G * NT, TILE), jnp.int32),
            jax.ShapeDtypeStruct((1, 1), jnp.float32),
        ],
        scratch_shapes=[
            pltpu.VMEM((G, V), jnp.float32),
            pltpu.VMEM((G * NT, TILE), jnp.int32),
            pltpu.SemaphoreType.DMA,
        ],
    )(hs, w, b)


_NC = 2
_NS = 16
_NW = _NC * _NS
_NCHUNK = _NW // G
_CHUNK = TOKENS // _NCHUNK


def _sc_gather_body(table_hbm, idx_hbm, out_hbm, idx_v, rows_v, sem):
    wid = lax.axis_index("s") * _NC + lax.axis_index("c")
    g = wid & 1
    chunk = wid >> 1
    row = g * NT + (chunk >> 1)
    col0 = (chunk & 1) * _CHUNK
    tok0 = chunk * _CHUNK

    pltpu.sync_copy(idx_hbm.at[row, pl.ds(col0, _CHUNK)], idx_v)
    pltpu.async_copy(table_hbm.at[idx_v], rows_v, sem).wait()

    @pl.when(g == 0)
    def _store0():
        pltpu.sync_copy(rows_v, out_hbm.at[pl.ds(tok0, _CHUNK), pl.ds(0, D)])

    @pl.when(g == 1)
    def _store1():
        pltpu.sync_copy(rows_v, out_hbm.at[pl.ds(tok0, _CHUNK), pl.ds(D, D)])


def _sc_gather(table, idx):
    mesh = plsc.VectorSubcoreMesh(core_axis_name="c", subcore_axis_name="s")
    run = pl.kernel(
        _sc_gather_body,
        mesh=mesh,
        out_type=jax.ShapeDtypeStruct((TOKENS, G * D), jnp.float32),
        scratch_types=[
            pltpu.VMEM((_CHUNK,), jnp.int32),
            pltpu.VMEM((_CHUNK, D), jnp.float32),
            pltpu.SemaphoreType.DMA,
        ],
        compiler_params=pltpu.CompilerParams(use_tc_tiling_on_sc=True),
    )
    return run(table, idx)


def kernel(hidden_states, W, b, codevectors):
    bsz, seq, hid = hidden_states.shape
    idx, plx = _proj_argmax(hidden_states.reshape(bsz * seq, hid), W, b)
    table = codevectors.reshape(GV, D)
    out = _sc_gather(table, idx)
    return out.reshape(bsz, seq, G * D), plx[0, 0]

# --- scband reference (transcript-rebuilt; emitter-appended) ---
"""Pipeline reference for scband-wav2-vec2-gumbel-vector-quantizer-17763984736814 (READ-ONLY COPY).

The authoritative reference and input builder live on the scoring server;
editing this copy changes nothing except your own understanding.
"""

import jax, jax.numpy as jnp
import numpy as np

NUM_GROUPS = 2
NUM_VARS = 320
CODEVECTOR_DIM = 256
HIDDEN = 512
B, S = 4, 2048


def setup_inputs(seed: int = 0) -> dict:
    key = jax.random.key(seed)
    k1, k2, k3 = jax.random.split(key, 3)
    hidden_states = jax.random.normal(k1, (B, S, HIDDEN), dtype=jnp.float32)
    # weight_proj: Linear(HIDDEN -> NUM_GROUPS * NUM_VARS)
    W = jax.random.normal(k2, (NUM_GROUPS * NUM_VARS, HIDDEN), dtype=jnp.float32) * 0.02
    b = jnp.zeros((NUM_GROUPS * NUM_VARS,), dtype=jnp.float32)
    # codevectors: [1, G*V, codevector_dim // G]
    codevectors = jax.random.normal(k3, (1, NUM_GROUPS * NUM_VARS, CODEVECTOR_DIM // NUM_GROUPS), dtype=jnp.float32)
    return {"hidden_states": hidden_states, "W": W, "b": b, "codevectors": codevectors}


def reference(hidden_states, W, b, codevectors):
    # Eval-mode path (deterministic): hard argmax one-hot instead of gumbel sampling.
    batch_size, sequence_length, hidden_size = hidden_states.shape
    logits = hidden_states @ W.T + b  # [B, S, G*V]
    logits = logits.reshape(batch_size * sequence_length * NUM_GROUPS, NUM_VARS)
    codevector_idx = jnp.argmax(logits, axis=-1)
    # scatter 1.0 into zeros == one-hot
    codevector_probs = jax.nn.one_hot(codevector_idx, NUM_VARS, dtype=logits.dtype)
    codevector_probs = codevector_probs.reshape(batch_size * sequence_length, NUM_GROUPS, NUM_VARS)
    # perplexity (no mask)
    marginal_probs = codevector_probs.mean(axis=0)
    perplexity = jnp.exp(-jnp.sum(marginal_probs * jnp.log(marginal_probs + 1e-07), axis=-1)).sum()
    # codevectors_per_group = probs[..., None] * codevectors; view [BT,G,V,d/G]; sum over V
    cv = codevectors.reshape(NUM_GROUPS, NUM_VARS, CODEVECTOR_DIM // NUM_GROUPS)
    codevecs = jnp.einsum('tgv,gvd->tgd', codevector_probs, cv)
    codevecs = codevecs.reshape(batch_size, sequence_length, -1)
    return (codevecs, perplexity)

if __name__ == "__main__":
    import jax
    _d = setup_inputs()
    print(jax.jit(kernel)(*tuple(_d.values())))

</pallas_src>

<mosaic_0001>
#map = affine_map<(d0, d1) -> (0, 0)>
module attributes {stable_mosaic.version = 14 : i64} {
  func.func @_sc_gather_body(%arg0: i32, %arg1: i32, %arg2: memref<640x128xf32, #tpu.memory_space<hbm>>, %arg3: memref<16x1024xi32, #tpu.memory_space<hbm>>, %arg4: memref<8192x256xf32, #tpu.memory_space<hbm>>, %arg5: memref<512xi32, #tpu.memory_space<vmem>>, %arg6: memref<512x128xf32, #tpu.memory_space<vmem>>, %arg7: memref<!tpu.dma_semaphore, #tpu.memory_space<semaphore_mem>>) attributes {dimension_semantics = [#tpu.dimension_semantics<core_parallel>, #tpu.dimension_semantics<subcore_parallel>], iteration_bounds = array<i64: 2, 16>, scalar_prefetch = 0 : i64, scratch_operands = 3 : i64, tpu.core_type = #tpu.core_type<sc_vector_subcore>, window_params = [{transform_indices = #map}, {transform_indices = #map}, {transform_indices = #map}]} {
    %mul3A = arith.constant 2 : i32
    %mul3A_0 = arith.muli %arg1, %mul3A : i32
    %add3A = arith.addi %mul3A_0, %arg0 : i32
    %and3A = arith.constant 1 : i32
    %and3A_1 = arith.andi %add3A, %and3A : i32
    %shift_right_arithmetic3A = arith.constant 1 : i32
    %shift_right_arithmetic3A_2 = arith.shrsi %add3A, %shift_right_arithmetic3A : i32
    %mul3A_3 = arith.constant 8 : i32
    %mul3A_4 = arith.muli %and3A_1, %mul3A_3 : i32
    %shift_right_arithmetic3A_5 = arith.constant 1 : i32
    %shift_right_arithmetic3A_6 = arith.shrsi %shift_right_arithmetic3A_2, %shift_right_arithmetic3A_5 : i32
    %add3A_7 = arith.addi %mul3A_4, %shift_right_arithmetic3A_6 : i32
    %and3A_8 = arith.constant 1 : i32
    %and3A_9 = arith.andi %shift_right_arithmetic3A_2, %and3A_8 : i32
    %mul3A_10 = arith.constant 512 : i32
    %mul3A_11 = arith.muli %and3A_9, %mul3A_10 : i32
    %mul3A_12 = arith.constant 512 : i32
    %mul3A_13 = arith.muli %shift_right_arithmetic3A_2, %mul3A_12 : i32
    "tpu.region"() ({
      %run_scoped3A = tpu.sem_alloc : memref<!tpu.dma_semaphore, #tpu.memory_space<semaphore_mem>>
      %dma_start3A_25 = tpu.memref_slice %arg3[%add3A_7, %mul3A_11] : memref<16x1024xi32, #tpu.memory_space<hbm>> -> memref<1x512xi32, #tpu.memory_space<hbm>>
      %dma_start3A_26 = tpu.memref_squeeze %dma_start3A_25 : memref<1x512xi32, #tpu.memory_space<hbm>> -> memref<512xi32, #tpu.memory_space<hbm>>
      %dma_start3A_27 = tpu.memref_slice %arg3[%add3A_7, %mul3A_11] : memref<16x1024xi32, #tpu.memory_space<hbm>> -> memref<1x512xi32, #tpu.memory_space<hbm>>
      %dma_start3A_28 = tpu.memref_squeeze %dma_start3A_27 : memref<1x512xi32, #tpu.memory_space<hbm>> -> memref<512xi32, #tpu.memory_space<hbm>>
      tpu.enqueue_dma source(%dma_start3A_28 : memref<512xi32, #tpu.memory_space<hbm>>) target(%arg5 : memref<512xi32, #tpu.memory_space<vmem>>) target_semaphore(%run_scoped3A : memref<!tpu.dma_semaphore, #tpu.memory_space<semaphore_mem>>)
      %dma_wait3A_29 = tpu.memref_slice %arg3[%add3A_7, %mul3A_11] : memref<16x1024xi32, #tpu.memory_space<hbm>> -> memref<1x512xi32, #tpu.memory_space<hbm>>
      %dma_wait3A_30 = tpu.memref_squeeze %dma_wait3A_29 : memref<1x512xi32, #tpu.memory_space<hbm>> -> memref<512xi32, #tpu.memory_space<hbm>>
      %dma_wait3A_31 = tpu.memref_slice %arg3[%add3A_7, %mul3A_11] : memref<16x1024xi32, #tpu.memory_space<hbm>> -> memref<1x512xi32, #tpu.memory_space<hbm>>
      %dma_wait3A_32 = tpu.memref_squeeze %dma_wait3A_31 : memref<1x512xi32, #tpu.memory_space<hbm>> -> memref<512xi32, #tpu.memory_space<hbm>>
      tpu.wait_dma2 semaphore(%run_scoped3A : memref<!tpu.dma_semaphore, #tpu.memory_space<semaphore_mem>>) src(%dma_wait3A_32 : memref<512xi32, #tpu.memory_space<hbm>>) dst(%arg5 : memref<512xi32, #tpu.memory_space<vmem>>)
      tpu.yield
    }) : () -> ()
    %dma_start3A = arith.constant 0 : i32
    %dma_start3A_14 = arith.constant 0 : i32
    %dma_start3A_15 = tpu.memref_slice %arg2[%dma_start3A, %dma_start3A_14] : memref<640x128xf32, #tpu.memory_space<hbm>> -> memref<640x128xf32, #tpu.memory_space<hbm>>
    tpu.enqueue_indirect_dma source(%dma_start3A_15 : memref<640x128xf32, #tpu.memory_space<hbm>>) target(%arg6 : memref<512x128xf32, #tpu.memory_space<vmem>>) offsets(%arg5 : memref<512xi32, #tpu.memory_space<vmem>>) semaphore(%arg7 : memref<!tpu.dma_semaphore, #tpu.memory_space<semaphore_mem>>)
    %dma_wait3A = arith.constant 0 : i32
    %dma_wait3A_16 = arith.constant 0 : i32
    %dma_wait3A_17 = tpu.memref_slice %arg2[%dma_wait3A, %dma_wait3A_16] : memref<640x128xf32, #tpu.memory_space<hbm>> -> memref<640x128xf32, #tpu.memory_space<hbm>>
    tpu.wait_indirect_dma semaphore(%arg7 : memref<!tpu.dma_semaphore, #tpu.memory_space<semaphore_mem>>) src(%dma_wait3A_17 : memref<640x128xf32, #tpu.memory_space<hbm>>) dst(%arg6 : memref<512x128xf32, #tpu.memory_space<vmem>>)
    %eq3A = arith.constant 0 : i32
    %eq3A_18 = arith.cmpi eq, %and3A_1, %eq3A : i32
    %convert_element_type3A = arith.extui %eq3A_18 : i1 to i32
    %cond3A = arith.constant 0 : i32
    %cond3A_19 = arith.cmpi ne, %convert_element_type3A, %cond3A : i32
    scf.if %cond3A_19 {
      "tpu.region"() ({
        %run_scoped3A = tpu.sem_alloc : memref<!tpu.dma_semaphore, #tpu.memory_space<semaphore_mem>>
        %dma_start3A_25 = arith.constant 0 : i32
        %dma_start3A_26 = tpu.memref_slice %arg4[%mul3A_13, %dma_start3A_25] : memref<8192x256xf32, #tpu.memory_space<hbm>> -> memref<512x128xf32, #tpu.memory_space<hbm>>
        %dma_start3A_27 = arith.constant 0 : i32
        %dma_start3A_28 = tpu.memref_slice %arg4[%mul3A_13, %dma_start3A_27] : memref<8192x256xf32, #tpu.memory_space<hbm>> -> memref<512x128xf32, #tpu.memory_space<hbm>>
        tpu.enqueue_dma source(%arg6 : memref<512x128xf32, #tpu.memory_space<vmem>>) target(%dma_start3A_28 : memref<512x128xf32, #tpu.memory_space<hbm>>) target_semaphore(%run_scoped3A : memref<!tpu.dma_semaphore, #tpu.memory_space<semaphore_mem>>)
        %dma_wait3A_29 = arith.constant 0 : i32
        %dma_wait3A_30 = tpu.memref_slice %arg4[%mul3A_13, %dma_wait3A_29] : memref<8192x256xf32, #tpu.memory_space<hbm>> -> memref<512x128xf32, #tpu.memory_space<hbm>>
        %dma_wait3A_31 = arith.constant 0 : i32
        %dma_wait3A_32 = tpu.memref_slice %arg4[%mul3A_13, %dma_wait3A_31] : memref<8192x256xf32, #tpu.memory_space<hbm>> -> memref<512x128xf32, #tpu.memory_space<hbm>>
        tpu.wait_dma2 semaphore(%run_scoped3A : memref<!tpu.dma_semaphore, #tpu.memory_space<semaphore_mem>>) src(%arg6 : memref<512x128xf32, #tpu.memory_space<vmem>>) dst(%dma_wait3A_32 : memref<512x128xf32, #tpu.memory_space<hbm>>)
        tpu.yield
      }) : () -> ()
    } else {
    }
    %eq3A_20 = arith.constant 1 : i32
    %eq3A_21 = arith.cmpi eq, %and3A_1, %eq3A_20 : i32
    %convert_element_type3A_22 = arith.extui %eq3A_21 : i1 to i32
    %cond3A_23 = arith.constant 0 : i32
    %cond3A_24 = arith.cmpi ne, %convert_element_type3A_22, %cond3A_23 : i32
    scf.if %cond3A_24 {
      "tpu.region"() ({
        %run_scoped3A = tpu.sem_alloc : memref<!tpu.dma_semaphore, #tpu.memory_space<semaphore_mem>>
        %dma_start3A_25 = arith.constant 128 : i32
        %dma_start3A_26 = tpu.memref_slice %arg4[%mul3A_13, %dma_start3A_25] : memref<8192x256xf32, #tpu.memory_space<hbm>> -> memref<512x128xf32, #tpu.memory_space<hbm>>
        %dma_start3A_27 = arith.constant 128 : i32
        %dma_start3A_28 = tpu.memref_slice %arg4[%mul3A_13, %dma_start3A_27] : memref<8192x256xf32, #tpu.memory_space<hbm>> -> memref<512x128xf32, #tpu.memory_space<hbm>>
        tpu.enqueue_dma source(%arg6 : memref<512x128xf32, #tpu.memory_space<vmem>>) target(%dma_start3A_28 : memref<512x128xf32, #tpu.memory_space<hbm>>) target_semaphore(%run_scoped3A : memref<!tpu.dma_semaphore, #tpu.memory_space<semaphore_mem>>)
        %dma_wait3A_29 = arith.constant 128 : i32
        %dma_wait3A_30 = tpu.memref_slice %arg4[%mul3A_13, %dma_wait3A_29] : memref<8192x256xf32, #tpu.memory_space<hbm>> -> memref<512x128xf32, #tpu.memory_space<hbm>>
        %dma_wait3A_31 = arith.constant 128 : i32
        %dma_wait3A_32 = tpu.memref_slice %arg4[%mul3A_13, %dma_wait3A_31] : memref<8192x256xf32, #tpu.memory_space<hbm>> -> memref<512x128xf32, #tpu.memory_space<hbm>>
        tpu.wait_dma2 semaphore(%run_scoped3A : memref<!tpu.dma_semaphore, #tpu.memory_space<semaphore_mem>>) src(%arg6 : memref<512x128xf32, #tpu.memory_space<vmem>>) dst(%dma_wait3A_32 : memref<512x128xf32, #tpu.memory_space<hbm>>)
        tpu.yield
      }) : () -> ()
    } else {
    }
    return
  }
}

module attributes {stable_mosaic.version = 14 : i64} {
  func.func @_proj_argmax_body(%arg0: i32, %arg1: memref<1024x512xf32, #tpu.memory_space<vmem>>, %arg2: memref<640x512xf32, #tpu.memory_space<vmem>>, %arg3: memref<640xf32, #tpu.memory_space<vmem>>, %arg4: memref<16x1024xi32, #tpu.memory_space<any>>, %arg5: memref<1x1xf32, #tpu.memory_space<vmem>>, %arg6: memref<2x320xf32, #tpu.memory_space<vmem>>, %arg7: memref<16x1024xi32, #tpu.memory_space<vmem>>, %arg8: memref<!tpu.dma_semaphore, #tpu.memory_space<semaphore_mem>>) attributes {dimension_semantics = [#tpu.dimension_semantics<arbitrary>], iteration_bounds = array<i64: 8>, scalar_prefetch = 0 : i64, scratch_operands = 3 : i64, tpu.core_type = #tpu.core_type<tc>, window_params = [{transform_indices = @transform_0, window_bounds = array<i64: 1024, 512>}, {pipeline_mode = #tpu.pipeline_mode<synchronous>, transform_indices = @transform_1, window_bounds = array<i64: 640, 512>}, {pipeline_mode = #tpu.pipeline_mode<synchronous>, transform_indices = @transform_2, window_bounds = array<i64: 640>}, {}, {pipeline_mode = #tpu.pipeline_mode<synchronous>, transform_indices = @transform_4, window_bounds = array<i64: 1, 1>}]} {
    %eq3A = arith.constant 0 : i32
    %eq3A_0 = arith.cmpi eq, %arg0, %eq3A : i32
    %convert_element_type3A = arith.extui %eq3A_0 : i1 to i32
    %cond3A = arith.constant 0 : i32
    %cond3A_1 = arith.cmpi ne, %convert_element_type3A, %cond3A : i32
    scf.if %cond3A_1 {
      %broadcast_in_dim3A_106 = arith.constant 0.000000e+00 : f32
      %broadcast_in_dim3A_107 = vector.broadcast %broadcast_in_dim3A_106 : f32 to vector<2x320xf32>
      %swap3A_108 = arith.constant 0 : index
      %swap3A_109 = arith.constant 0 : index
      %swap3A_110 = vector.load %arg6[%swap3A_108, %swap3A_109] : memref<2x320xf32, #tpu.memory_space<vmem>>, vector<2x320xf32>
      tpu.vector_store %arg6[%swap3A_108, %swap3A_109], %broadcast_in_dim3A_107 {strides = array<i32>} : memref<2x320xf32, #tpu.memory_space<vmem>>, vector<2x320xf32>,
    } else {
    }
    %get3A = arith.constant 0 : index
    %get3A_2 = arith.constant 0 : index
    %get3A_3 = vector.load %arg1[%get3A, %get3A_2] : memref<1024x512xf32, #tpu.memory_space<vmem>>, vector<1024x512xf32>
    %get3A_4 = arith.constant 0 : index
    %get3A_5 = arith.constant 0 : index
    %get3A_6 = vector.load %arg2[%get3A_4, %get3A_5] : memref<640x512xf32, #tpu.memory_space<vmem>>, vector<640x512xf32>
    %dot_general3A = arith.constant dense<0.000000e+00> : vector<1024x640xf32>
    %dot_general3A_7 = tpu.matmul %get3A_3, %get3A_6, %dot_general3A {dimension_numbers = #tpu.dot_dimension_numbers<[1], [1], [0], [0], [0, 0, 1, 0], [], []>, transpose_lhs_hint = false} : vector<1024x512xf32>, vector<640x512xf32>, vector<1024x640xf32> -> vector<1024x640xf32>
    %get3A_8 = arith.constant 0 : index
    %get3A_9 = vector.load %arg3[%get3A_8] : memref<640xf32, #tpu.memory_space<vmem>>, vector<640xf32>
    %reshape3A = vector.shape_cast %get3A_9 : vector<640xf32> to vector<1x640xf32>
    %add3A = vector.broadcast %reshape3A : vector<1x640xf32> to vector<1024x640xf32>
    %add3A_10 = arith.addf %dot_general3A_7, %add3A : vector<1024x640xf32>
    %iota3A = tpu.iota {dimensions = array<i32: 1>} : vector<1x320xi32>
    %convert_element_type3A_11 = arith.sitofp %iota3A : vector<1x320xi32> to vector<1x320xf32>
    %slice3A = vector.extract_strided_slice %add3A_10 {offsets = [0, 0], sizes = [1024, 320], strides = [1, 1]} : vector<1024x640xf32> to vector<1024x320xf32>
    %slice3A_12 = vector.extract_strided_slice %add3A_10 {offsets = [0, 320], sizes = [1024, 320], strides = [1, 1]} : vector<1024x640xf32> to vector<1024x320xf32>
    %reduce_max3A = arith.constant dense<0xFF800000> : vector<1024xf32>
    %reduce_max3A_13 = vector.multi_reduction <maximumf>, %slice3A, %reduce_max3A [1] : vector<1024x320xf32> to vector<1024xf32>
    %broadcast_in_dim3A = vector.shape_cast %reduce_max3A_13 : vector<1024xf32> to vector<1024x1xf32>
    %reduce_max3A_14 = arith.constant dense<0xFF800000> : vector<1024xf32>
    %reduce_max3A_15 = vector.multi_reduction <maximumf>, %slice3A_12, %reduce_max3A_14 [1] : vector<1024x320xf32> to vector<1024xf32>
    %broadcast_in_dim3A_16 = vector.shape_cast %reduce_max3A_15 : vector<1024xf32> to vector<1024x1xf32>
    %eq3A_17 = vector.broadcast %broadcast_in_dim3A : vector<1024x1xf32> to vector<1024x320xf32>
    %eq3A_18 = arith.cmpf oeq, %slice3A, %eq3A_17 : vector<1024x320xf32>
    %jit3A = arith.constant 3.200000e+02 : f32
    %broadcast_in_dim3A_19 = vector.shape_cast %convert_element_type3A_11 : vector<1x320xf32> to vector<1x320xf32>
    %broadcast_in_dim3A_20 = vector.broadcast %broadcast_in_dim3A_19 : vector<1x320xf32> to vector<1024x320xf32>
    %broadcast_in_dim3A_21 = vector.broadcast %jit3A : f32 to vector<1024x320xf32>
    %select_n3A = arith.select %eq3A_18, %broadcast_in_dim3A_20, %broadcast_in_dim3A_21 : vector<1024x320xi1>, vector<1024x320xf32>
    %reduce_min3A = arith.constant dense<0x7F800000> : vector<1024xf32>
    %reduce_min3A_22 = vector.multi_reduction <minimumf>, %select_n3A, %reduce_min3A [1] : vector<1024x320xf32> to vector<1024xf32>
    %broadcast_in_dim3A_23 = vector.shape_cast %reduce_min3A_22 : vector<1024xf32> to vector<1024x1xf32>
    %eq3A_24 = vector.broadcast %broadcast_in_dim3A_16 : vector<1024x1xf32> to vector<1024x320xf32>
    %eq3A_25 = arith.cmpf oeq, %slice3A_12, %eq3A_24 : vector<1024x320xf32>
    %jit3A_26 = arith.constant 3.200000e+02 : f32
    %broadcast_in_dim3A_27 = vector.shape_cast %convert_element_type3A_11 : vector<1x320xf32> to vector<1x320xf32>
    %broadcast_in_dim3A_28 = vector.broadcast %broadcast_in_dim3A_27 : vector<1x320xf32> to vector<1024x320xf32>
    %broadcast_in_dim3A_29 = vector.broadcast %jit3A_26 : f32 to vector<1024x320xf32>
    %select_n3A_30 = arith.select %eq3A_25, %broadcast_in_dim3A_28, %broadcast_in_dim3A_29 : vector<1024x320xi1>, vector<1024x320xf32>
    %reduce_min3A_31 = arith.constant dense<0x7F800000> : vector<1024xf32>
    %reduce_min3A_32 = vector.multi_reduction <minimumf>, %select_n3A_30, %reduce_min3A_31 [1] : vector<1024x320xf32> to vector<1024xf32>
    %broadcast_in_dim3A_33 = vector.shape_cast %reduce_min3A_32 : vector<1024xf32> to vector<1024x1xf32>
    %eq3A_34 = vector.broadcast %convert_element_type3A_11 : vector<1x320xf32> to vector<1024x320xf32>
    %eq3A_35 = vector.broadcast %broadcast_in_dim3A_23 : vector<1024x1xf32> to vector<1024x320xf32>
    %eq3A_36 = arith.cmpf oeq, %eq3A_34, %eq3A_35 : vector<1024x320xf32>
    %convert_element_type3A_37 = arith.extui %eq3A_36 : vector<1024x320xi1> to vector<1024x320xi32>
    %convert_element_type3A_38 = arith.sitofp %convert_element_type3A_37 : vector<1024x320xi32> to vector<1024x320xf32>
    %eq3A_39 = vector.broadcast %convert_element_type3A_11 : vector<1x320xf32> to vector<1024x320xf32>
    %eq3A_40 = vector.broadcast %broadcast_in_dim3A_33 : vector<1024x1xf32> to vector<1024x320xf32>
    %eq3A_41 = arith.cmpf oeq, %eq3A_39, %eq3A_40 : vector<1024x320xf32>
    %convert_element_type3A_42 = arith.extui %eq3A_41 : vector<1024x320xi1> to vector<1024x320xi32>
    %convert_element_type3A_43 = arith.sitofp %convert_element_type3A_42 : vector<1024x320xi32> to vector<1024x320xf32>
    %broadcast_in_dim3A_44 = arith.constant 1.000000e+00 : f32
    %broadcast_in_dim3A_45 = vector.broadcast %broadcast_in_dim3A_44 : f32 to vector<1x1024xf32>
    %dot_general3A_46 = arith.constant dense<0.000000e+00> : vector<1x320xf32>
    %dot_general3A_47 = tpu.matmul %broadcast_in_dim3A_45, %convert_element_type3A_38, %dot_general3A_46 {dimension_numbers = #tpu.dot_dimension_numbers<[1], [0], [0], [1], [0, 0, 1, 1], [], []>, transpose_lhs_hint = false} : vector<1x1024xf32>, vector<1024x320xf32>, vector<1x320xf32> -> vector<1x320xf32>
    %dot_general3A_48 = arith.constant dense<0.000000e+00> : vector<1x320xf32>
    %dot_general3A_49 = tpu.matmul %broadcast_in_dim3A_45, %convert_element_type3A_43, %dot_general3A_48 {dimension_numbers = #tpu.dot_dimension_numbers<[1], [0], [0], [1], [0, 0, 1, 1], [], []>, transpose_lhs_hint = false} : vector<1x1024xf32>, vector<1024x320xf32>, vector<1x320xf32> -> vector<1x320xf32>
    %get3A_50 = arith.constant 0 : index
    %get3A_51 = arith.constant 0 : index
    %get3A_52 = vector.load %arg6[%get3A_50, %get3A_51] : memref<2x320xf32, #tpu.memory_space<vmem>>, vector<2x320xf32>
    %concatenate3A = tpu.concatenate %dot_general3A_47, %dot_general3A_49 in 0 : vector<1x320xf32>, vector<1x320xf32> -> vector<2x320xf32>
    %add3A_53 = arith.addf %get3A_52, %concatenate3A : vector<2x320xf32>
    %swap3A = arith.constant 0 : index
    %swap3A_54 = arith.constant 0 : index
    %swap3A_55 = vector.load %arg6[%swap3A, %swap3A_54] : memref<2x320xf32, #tpu.memory_space<vmem>>, vector<2x320xf32>
    tpu.vector_store %arg6[%swap3A, %swap3A_54], %add3A_53 {strides = array<i32>} : memref<2x320xf32, #tpu.memory_space<vmem>>, vector<2x320xf32>,
    %iota3A_56 = tpu.iota {dimensions = array<i32: 1>} : vector<1x320xi32>
    %add3A_57 = arith.constant 0 : i32
    %add3A_58 = vector.broadcast %add3A_57 : i32 to vector<1x320xi32>
    %add3A_59 = arith.addi %iota3A_56, %add3A_58 : vector<1x320xi32>
    %and3A = arith.constant 255 : i32
    %and3A_60 = vector.broadcast %and3A : i32 to vector<1x320xi32>
    %and3A_61 = arith.andi %add3A_59, %and3A_60 : vector<1x320xi32>
    %convert_element_type3A_62 = arith.sitofp %and3A_61 : vector<1x320xi32> to vector<1x320xf32>
    %and3A_63 = arith.constant -256 : i32
    %and3A_64 = vector.broadcast %and3A_63 : i32 to vector<1x320xi32>
    %and3A_65 = arith.andi %add3A_59, %and3A_64 : vector<1x320xi32>
    %convert_element_type3A_66 = arith.sitofp %and3A_65 : vector<1x320xi32> to vector<1x320xf32>
    %concatenate3A_67 = tpu.concatenate %convert_element_type3A_62, %convert_element_type3A_66 in 0 : vector<1x320xf32>, vector<1x320xf32> -> vector<2x320xf32>
    %dot_general3A_68 = arith.constant dense<0.000000e+00> : vector<2x1024xf32>
    %dot_general3A_69 = tpu.matmul %concatenate3A_67, %convert_element_type3A_38, %dot_general3A_68 {dimension_numbers = #tpu.dot_dimension_numbers<[1], [1], [0], [0], [0, 0, 1, 0], [], []>, transpose_lhs_hint = false} : vector<2x320xf32>, vector<1024x320xf32>, vector<2x1024xf32> -> vector<2x1024xf32>
    %iota3A_70 = tpu.iota {dimensions = array<i32: 1>} : vector<1x320xi32>
    %add3A_71 = arith.constant 320 : i32
    %add3A_72 = vector.broadcast %add3A_71 : i32 to vector<1x320xi32>
    %add3A_73 = arith.addi %iota3A_70, %add3A_72 : vector<1x320xi32>
    %and3A_74 = arith.constant 255 : i32
    %and3A_75 = vector.broadcast %and3A_74 : i32 to vector<1x320xi32>
    %and3A_76 = arith.andi %add3A_73, %and3A_75 : vector<1x320xi32>
    %convert_element_type3A_77 = arith.sitofp %and3A_76 : vector<1x320xi32> to vector<1x320xf32>
    %and3A_78 = arith.constant -256 : i32
    %and3A_79 = vector.broadcast %and3A_78 : i32 to vector<1x320xi32>
    %and3A_80 = arith.andi %add3A_73, %and3A_79 : vector<1x320xi32>
    %convert_element_type3A_81 = arith.sitofp %and3A_80 : vector<1x320xi32> to vector<1x320xf32>
    %concatenate3A_82 = tpu.concatenate %convert_element_type3A_77, %convert_element_type3A_81 in 0 : vector<1x320xf32>, vector<1x320xf32> -> vector<2x320xf32>
    %dot_general3A_83 = arith.constant dense<0.000000e+00> : vector<2x1024xf32>
    %dot_general3A_84 = tpu.matmul %concatenate3A_82, %convert_element_type3A_43, %dot_general3A_83 {dimension_numbers = #tpu.dot_dimension_numbers<[1], [1], [0], [0], [0, 0, 1, 0], [], []>, transpose_lhs_hint = false} : vector<2x320xf32>, vector<1024x320xf32>, vector<2x1024xf32> -> vector<2x1024xf32>
    %slice3A_85 = vector.extract_strided_slice %dot_general3A_69 {offsets = [0, 0], sizes = [1, 1024], strides = [1, 1]} : vector<2x1024xf32> to vector<1x1024xf32>
    %slice3A_86 = vector.extract_strided_slice %dot_general3A_69 {offsets = [1, 0], sizes = [1, 1024], strides = [1, 1]} : vector<2x1024xf32> to vector<1x1024xf32>
    %add3A_87 = arith.addf %slice3A_85, %slice3A_86 : vector<1x1024xf32>
    %convert_element_type3A_88 = arith.fptosi %add3A_87 : vector<1x1024xf32> to vector<1x1024xi32>
    %slice3A_89 = vector.extract_strided_slice %dot_general3A_84 {offsets = [0, 0], sizes = [1, 1024], strides = [1, 1]} : vector<2x1024xf32> to vector<1x1024xf32>
    %slice3A_90 = vector.extract_strided_slice %dot_general3A_84 {offsets = [1, 0], sizes = [1, 1024], strides = [1, 1]} : vector<2x1024xf32> to vector<1x1024xf32>
    %add3A_91 = arith.addf %slice3A_89, %slice3A_90 : vector<1x1024xf32>
    %convert_element_type3A_92 = arith.fptosi %add3A_91 : vector<1x1024xf32> to vector<1x1024xi32>
    %swap3A_93 = arith.index_cast %arg0 : i32 to index
    %swap3A_94 = arith.constant 0 : index
    %swap3A_95 = vector.load %arg7[%swap3A_93, %swap3A_94] : memref<16x1024xi32, #tpu.memory_space<vmem>>, vector<1x1024xi32>
    tpu.vector_store %arg7[%swap3A_93, %swap3A_94], %convert_element_type3A_88 {strides = array<i32>} : memref<16x1024xi32, #tpu.memory_space<vmem>>, vector<1x1024xi32>,
    %add3A_96 = arith.constant 8 : i32
    %add3A_97 = arith.addi %add3A_96, %arg0 : i32
    %swap3A_98 = arith.index_cast %add3A_97 : i32 to index
    %swap3A_99 = arith.constant 0 : index
    %swap3A_100 = vector.load %arg7[%swap3A_98, %swap3A_99] : memref<16x1024xi32, #tpu.memory_space<vmem>>, vector<1x1024xi32>
    tpu.vector_store %arg7[%swap3A_98, %swap3A_99], %convert_element_type3A_92 {strides = array<i32>} : memref<16x1024xi32, #tpu.memory_space<vmem>>, vector<1x1024xi32>,
    %eq3A_101 = arith.constant 7 : i32
    %eq3A_102 = arith.cmpi eq, %arg0, %eq3A_101 : i32
    %convert_element_type3A_103 = arith.extui %eq3A_102 : i1 to i32
    %cond3A_104 = arith.constant 0 : i32
    %cond3A_105 = arith.cmpi ne, %convert_element_type3A_103, %cond3A_104 : i32
    scf.if %cond3A_105 {
      tpu.enqueue_dma source(%arg7 : memref<16x1024xi32, #tpu.memory_space<vmem>>) target(%arg4 : memref<16x1024xi32, #tpu.memory_space<any>>) target_semaphore(%arg8 : memref<!tpu.dma_semaphore, #tpu.memory_space<semaphore_mem>>)
      %get3A_106 = arith.constant 0 : index
      %get3A_107 = arith.constant 0 : index
      %get3A_108 = vector.load %arg6[%get3A_106, %get3A_107] : memref<2x320xf32, #tpu.memory_space<vmem>>, vector<2x320xf32>
      %mul3A = arith.constant 1.22070313E-4 : f32
      %mul3A_109 = vector.broadcast %mul3A : f32 to vector<2x320xf32>
      %mul3A_110 = arith.mulf %get3A_108, %mul3A_109 : vector<2x320xf32>
      %add3A_111 = arith.constant 1.000000e-07 : f32
      %add3A_112 = vector.broadcast %add3A_111 : f32 to vector<2x320xf32>
      %add3A_113 = arith.addf %mul3A_110, %add3A_112 : vector<2x320xf32>
      %log3A = math.log %add3A_113 : vector<2x320xf32>
      %mul3A_114 = arith.mulf %mul3A_110, %log3A : vector<2x320xf32>
      %reduce_sum3A = arith.constant dense<0.000000e+00> : vector<2xf32>
      %reduce_sum3A_115 = vector.multi_reduction <add>, %mul3A_114, %reduce_sum3A [1] : vector<2x320xf32> to vector<2xf32>
      %broadcast_in_dim3A_116 = vector.shape_cast %reduce_sum3A_115 : vector<2xf32> to vector<2x1xf32>
      %neg3A = arith.constant 0.000000e+00 : f32
      %neg3A_117 = vector.broadcast %neg3A : f32 to vector<2x1xf32>
      %neg3A_118 = arith.subf %neg3A_117, %broadcast_in_dim3A_116 : vector<2x1xf32>
      %exp3A = math.exp %neg3A_118 : vector<2x1xf32>
      %reduce_sum3A_119 = arith.constant dense<0.000000e+00> : vector<1xf32>
      %reduce_sum3A_120 = vector.multi_reduction <add>, %exp3A, %reduce_sum3A_119 [0] : vector<2x1xf32> to vector<1xf32>
      %broadcast_in_dim3A_121 = vector.shape_cast %reduce_sum3A_120 : vector<1xf32> to vector<1x1xf32>
      %swap3A_122 = arith.constant 0 : index
      %swap3A_123 = arith.constant 0 : index
      %swap3A_124 = vector.load %arg5[%swap3A_122, %swap3A_123] : memref<1x1xf32, #tpu.memory_space<vmem>>, vector<1x1xf32>
      tpu.vector_store %arg5[%swap3A_122, %swap3A_123], %broadcast_in_dim3A_121 {strides = array<i32>} : memref<1x1xf32, #tpu.memory_space<vmem>>, vector<1x1xf32>,
      tpu.wait_dma2 semaphore(%arg8 : memref<!tpu.dma_semaphore, #tpu.memory_space<semaphore_mem>>) src(%arg7 : memref<16x1024xi32, #tpu.memory_space<vmem>>) dst(%arg4 : memref<16x1024xi32, #tpu.memory_space<any>>)
    } else {
    }
    return
  }
  func.func @transform_0(%arg0: i32) -> (i32, i32) {
    %c0_i32 = arith.constant 0 : i32
    %c0_i32_0 = arith.constant 0 : i32
    return %arg0, %c0_i32 : i32, i32
  }
  func.func @transform_1(%arg0: i32) -> (i32, i32) {
    %c0_i32 = arith.constant 0 : i32
    %c0_i32_0 = arith.constant 0 : i32
    %c0_i32_1 = arith.constant 0 : i32
    return %c0_i32, %c0_i32_0 : i32, i32
  }
  func.func @transform_2(%arg0: i32) -> i32 {
    %c0_i32 = arith.constant 0 : i32
    %c0_i32_0 = arith.constant 0 : i32
    return %c0_i32 : i32
  }
  func.func @transform_4(%arg0: i32) -> (i32, i32) {
    %c0_i32 = arith.constant 0 : i32
    %c0_i32_0 = arith.constant 0 : i32
    %c0_i32_1 = arith.constant 0 : i32
    return %c0_i32, %c0_i32_0 : i32, i32
  }
}

</mosaic_0001>

<sc_bundles>
// kernel: kernel.4.cloned.1.call-start
scs
__scs_entry_jumppad:
0x0: {  	(pc) =	sbr.rel $0x88, $3  }
0x1: {  	(tag) =	ssettag $0x0;
	lr =	simm.s32 $0x1  }
0x2: {  	[smem:$0x3F9D] =	sst lr;
	_ =	strace $0xD0000000  }
0x3: {  	_ = 	snop  }
0x4: {  	_ = 	snop  }
0x5: {  	_ = 	snop  }
0x6: {  	_ = 	snop  }
0x7: {  	_ = 	snop  }
__scs_overlays_trampoline_lowered:
0x8: {  	[smem:$0x3FAC] =	sst s0  }
0x9: {  	[smem:$0x3FAD] =	sst s1  }
0xa: {  	[smem:$0x3FAE] =	sst s2  }
0xb: {  	[smem:$0x3FAF] =	sst s3  }
0xc: {  	[smem:$0x3FB0] =	sst s4  }
0xd: {  	[smem:$0x3FB1] =	sst s5  }
0xe: {  	[smem:$0x3FB2] =	sst s6  }
0xf: {  	[smem:$0x3FB3] =	sst s7  }
0x10: {  	[smem:$0x3FB4] =	sst s8  }
0x11: {  	[smem:$0x3FB5] =	sst s9;
	s0 =	simm.s32 @!p0 $0x0  }
0x12: {  	s1 =	sld [smem:$0x3F9B];
	s0 =	simm.s32 @p0 $0x1  }
0x13: {  	[smem:$0x3FB6] =	sst s0;
	s0 =	simm.s32 @!p1 $0x0  }
0x14: {  	s2 =	sld [smem:$0x3F9A];
	s0 =	simm.s32 @p1 $0x1  }
0x15: {  	[smem:$0x3FB7] =	sst s0;
	s0 =	simm.s32 @!p2 $0x0  }
0x16: {  	s3 =	sld [smem:$0x3FDB];
	s0 =	simm.s32 @p2 $0x1  }
0x17: {  	s4 =	simm.s32 $0x1BF5;
	[smem:$0x3FB9] =	sst s0  }
0x18: {  	s0 =	sld [smem:$0x3F9C];
	_ =	swait.ge [sflag:s4], $0x0  }
0x19: {  	s7 =	sld [smem:$0x3F9D]  }
0x1a: {  	s8 =	sadd.s32 $0xFFFFE003, lr  }
0x1b: {  	s9 =	sadd.s32 $0xFFFFFEF7, lr;
	s5 =	simm.s32 $0xFFFFFFFF;
	p2 =	slt.u32 s8, $0xFFFFF086  }
0x1c: {  	p1 =	slt.u32 s9, $0xF7A;
	s5 =	simm.s32 @!p2 $0x0  }
0x1d: {  	s5 =	simm.s32 @p1 $0x1;
	p0 =	seq.s32 s7, s2  }
0x1e: {  	s7 =	smul.u32 @!p0 $0xF7A, s2;
	p2 =	seq.s32 @!p0 s5, $0x0  }
0x1f: {  	s9 =	smul.u32 $0xF7A, s1;
	s8 =	simm.s32 @!p0 $0x1BF5;
	p2 =	por !p2, p0  }
0x20: {  	[sflag:s8] =	ssyncset.s32 @!p0 $0xFFFFF086;
	s6 =	sadd.s32 @!p0 s3, s7;
	s7 =	simm.s32 @!p0 $0x108  }
0x21: {  	s3 =	sadd.s32 s3, s9;
	s6 =	sadd.s32 @!p0 $0x88, s6;
	s7 =	simm.s32 @p2 $0x1082  }
0x22: {  	[simem:s7], [sflag:s8] =	dma.local @!p0 [hbm:s6], $0xF7A  }
0x23: {  	s9 =	sor.u32 $0xD0000000, s2;
	s6 =	simm.s32 $0x108;
	_ =	swait.ge @!p0 [sflag:s8], $0x0  }
0x24: {  	s3 =	sadd.s32 $0x88, s3;
	s6 =	simm.s32 @!p1 $0x1082;
	[sflag:s4] =	ssyncset.s32 $0xFFFFF086  }
0x25: {  	[simem:s6], [sflag:s4] =	dma.local [hbm:s3], $0xF7A  }
0x26: {  	[smem:$0x3F9D] =	sst s1;
	(tag) =	ssettag s2;
	_ =	strace s9  }
0x27: {  	s1 =	sld [smem:$0x3FAD]  }
0x28: {  	s2 =	sld [smem:$0x3FAE]  }
0x29: {  	s4 =	sld [smem:$0x3FB0]  }
0x2a: {  	p0 =	seq.s32 s5, $0x0;
	s5 =	sld [smem:$0x3FB1]  }
0x2b: {  	s6 =	sld [smem:$0x3FB2]  }
0x2c: {  	s7 =	sld [smem:$0x3FB3]  }
0x2d: {  	s3 =	simm.s32 $0x108;
	s8 =	sld [smem:$0x3FB4]  }
0x2e: {  	s3 =	simm.s32 @!p0 $0x1082;
	s9 =	sld [smem:$0x3FB5]  }
0x2f: {  	lr =	sadd.s32 s0, s3;
	s0 =	sld [smem:$0x3FAC]  }
0x30: {  	s3 =	sld [smem:$0x3FAF]  }
0x31: {  	[smem:$0x3FB8] =	sst s10  }
0x32: {  	s10 =	sld [smem:$0x3FB6];
	_ =	sdelay $0x3  }
0x33: {  	p0 =	seq.s32 s10, $0x1;
	s10 =	sld [smem:$0x3FB8];
	_ =	sdelay $0x3  }
0x34: {  	[smem:$0x3FB8] =	sst s10  }
0x35: {  	s10 =	sld [smem:$0x3FB7];
	_ =	sdelay $0x3  }
0x36: {  	p1 =	seq.s32 s10, $0x1;
	s10 =	sld [smem:$0x3FB8];
	_ =	sdelay $0x3  }
0x37: {  	[smem:$0x3FB8] =	sst s10  }
0x38: {  	s10 =	sld [smem:$0x3FB9]  }
0x39: {  	_ = 	snop;
	(pc) =	sbr.ind lr, $3  }
0x3a: {  	_ = 	snop  }
0x3b: {  	_ = 	snop  }
0x3c: {  	p2 =	seq.s32 s10, $0x1;
	s10 =	sld [smem:$0x3FB8]  }
0x3d: {  	_ =	shalt  }
0x3e: {  	_ =	shalt  }
0x3f: {  	_ =	shalt  }
0x40: {  	_ =	shalt  }
0x41: {  	_ =	shalt  }
0x42: {  	_ =	shalt  }
0x43: {  	_ =	shalt  }
0x44: {  	_ =	shalt  }
0x45: {  	_ =	shalt  }
0x46: {  	_ =	shalt  }
0x47: {  	_ =	shalt  }
0x48: {  	_ =	shalt  }
0x49: {  	_ =	shalt  }
0x4a: {  	_ =	shalt  }
0x4b: {  	_ =	shalt  }
0x4c: {  	_ =	shalt  }
0x4d: {  	_ =	shalt  }
0x4e: {  	_ =	shalt  }
0x4f: {  	_ =	shalt  }
0x50: {  	_ =	shalt  }
0x51: {  	_ =	shalt  }
0x52: {  	_ =	shalt  }
0x53: {  	_ =	shalt  }
0x54: {  	_ =	shalt  }
0x55: {  	_ =	shalt  }
0x56: {  	_ =	shalt  }
0x57: {  	_ =	shalt  }
0x58: {  	_ =	shalt  }
0x59: {  	_ =	shalt  }
0x5a: {  	_ =	shalt  }
0x5b: {  	_ =	shalt  }
0x5c: {  	_ =	shalt  }
0x5d: {  	_ =	shalt  }
0x5e: {  	_ =	shalt  }
0x5f: {  	_ =	shalt  }
0x60: {  	_ =	shalt  }
0x61: {  	_ =	shalt  }
0x62: {  	_ =	shalt  }
0x63: {  	_ =	shalt  }
0x64: {  	_ =	shalt  }
0x65: {  	_ =	shalt  }
0x66: {  	_ =	shalt  }
0x67: {  	_ =	shalt  }
0x68: {  	_ =	shalt  }
0x69: {  	_ =	shalt  }
0x6a: {  	_ =	shalt  }
0x6b: {  	_ =	shalt  }
0x6c: {  	_ =	shalt  }
0x6d: {  	_ =	shalt  }
0x6e: {  	_ =	shalt  }
0x6f: {  	_ =	shalt  }
0x70: {  	_ =	shalt  }
0x71: {  	_ =	shalt  }
0x72: {  	_ =	shalt  }
0x73: {  	_ =	shalt  }
0x74: {  	_ =	shalt  }
0x75: {  	_ =	shalt  }
0x76: {  	_ =	shalt  }
0x77: {  	_ =	shalt  }
0x78: {  	_ =	shalt  }
0x79: {  	_ =	shalt  }
0x7a: {  	_ =	shalt  }
0x7b: {  	_ =	shalt  }
0x7c: {  	_ =	shalt  }
0x7d: {  	_ =	shalt  }
0x7e: {  	_ =	shalt  }
0x7f: {  	_ =	shalt  }
0x80: {  	_ =	shalt  }
0x81: {  	_ =	shalt  }
0x82: {  	_ =	shalt  }
0x83: {  	_ =	shalt  }
0x84: {  	_ =	shalt  }
0x85: {  	_ =	shalt  }
0x86: {  	_ =	shalt  }
0x87: {  	_ =	shalt  }
.Lfunc_end0:
.L_simem_size_0:
called_computation_lowered:
.L_overlay_start_0:
0x88: {  	s2 =	sld [smem:$0x3FD9]  }
0x89: {  	s3 =	sld [smem:$0x3FFE];
	_ =	sdelay $0x1  }
0x8a: {  	s1 =	srdreg.scid  }
0x8b: {  	s0 =	sand.u32 $0x1, s1  }
0x8c: {  	s14 =	sshll.u32 s0, $0xA;
	s2 =	sadd.s32 s3, s2  }
0x8d: {  	s2 =	sadd.s32 s2, s14  }
0x8e: {  	[smem:$0x3FC4] =	sst s2  }
0x8f: {  	_ = 	snop  }
0x90: {  	s2 =	sld [smem:$0x3FD0];
	_ =	sdelay $0x2  }
0x91: {  	s4 =	simm.s32 $0xA;
	s5 =	simm.s32 $0x10;
	s15 =	sld [smem:$0x3FC6]  }
0x92: {  	[smem:s5], [sflag:s4] =	dma.local [hbm:s2], $0x1  }
0x93: {  	_ =	swait.eq [sflag:s4], $0x1  }
0x94: {  	[sflag:s4] =	ssyncset.done $0x0  }
0x95: {  	[sflag:s4] =	ssyncadd.s32 $0xFFFFFFFF  }
0x96: {  	s16 =	sld [smem:$0x10];
	(tm) =	ssettm $0x1  }
0x97: {  	s17 =	sld [smem:$0x3FFB];
	_ =	sdelay $0x3  }
0x98: {  	_ =	strace s17  }
0x99: {  	s4 =	sld [smem:$0x3FFC];
	_ =	sdelay $0x3  }
0x9a: {  	_ =	strace s4  }
0x9b: {  	s4 =	sld [smem:$0x3FFD];
	_ =	sdelay $0x3  }
0x9c: {  	_ =	strace s4  }
0x9d: {  	_ =	strace $0x8FFFFFFF  }
0x9e: {  	s18 =	sld [smem:$0x3FDB];
	_ =	sdelay $0x1  }
0x9f: {  	s19 =	simm.s32 $_scs_section_size  }
0xa0: {  	s6 =	simm.s32 $_size__tile_overlayer_lowered;
	s7 =	simm.s32 $_tile_overlayer_lowered  }
0xa1: {  	s22 =	simm.s32 $0x1BFF;
	s21 =	sshll.u32 s7, $0x1;
	s4 =	sadd.s32 s19, s18  }
0xa2: {  	s8 =	simm.s32 $0x0;
	s20 =	sshll.u32 s6, $0x1;
	s6 =	sadd.s32 s21, s4  }
0xa3: {  	[timem:s8], [sflag:s22] =	dma.local [hbm:s6], s20  }
0xa4: {  	_ =	swait.ge [sflag:s22], s20  }
0xa5: {  	s5 =	ssub.s32 $0x0, s20;
	[sflag:s22] =	ssyncset.done $0x0  }
0xa6: {  	[sflag:s22] =	ssyncadd.s32 s5;
	_ =	sdelay $0x1  }
0xa7: {  	s23 =	simm.s32 $0x1B8B  }
0xa8: {  	_ =	swait.ge [sflag:s23], $0x1  }
0xa9: {  	[sflag:s23] =	ssyncset.done $0x0  }
0xaa: {  	s25 =	simm.s32 $0x1B8E;
	s24 =	sld [smem:$0x3FFE];
	[sflag:s23] =	ssyncadd.s32 $0xFFFFFFFF  }
0xab: {  	s26 =	simm.s32 $execute0_lowered;
	[smem:$0x3FD2] =	sst s25  }
0xac: {  	s6 =	sshll.u32 s26, $0x1;
	_ =	strace $0x80000046;
	[dreg:$0x1] =	wrdreg $0xFFFFFFFF  }
0xad: {  	s28 =	simm.s32 $_size_execute0_lowered;
	s4 =	sadd.s32 s4, s6;
	[dreg:$0x0] =	wrdreg $0x0  }
0xae: {  	s6 =	sshll.u32 s28, $0x1;
	[dreg:$0x2] =	wrdreg s4  }
0xaf: {  	[dreg:$0x3] =	wrdreg s6  }
0xb0: {  	[dreg:$0x4] =	wrdreg $0xC0  }
0xb1: {  	_ =	task [dreg:s8], $0x5FFFF  }
0xb2: {  	[dreg:$0x1] =	wrdreg $0xFFFFFFFF  }
0xb3: {  	[dreg:$0x0] =	wrdreg $0x60  }
0xb4: {  	[dreg:$0x2] =	wrdreg s15  }
0xb5: {  	[dreg:$0x3] =	wrdreg s24  }
0xb6: {  	[dreg:$0x4] =	wrdreg s16  }
0xb7: {  	[dreg:$0x5] =	wrdreg $0x9  }
0xb8: {  	_ =	task.clear_ibuf [dreg:s8], $0x6FFFF;
	_ =	strace $0x90000046  }
0xb9: {  	s29 =	simm.s32 $0x9;
	_ =	strace $0x80000048  }
0xba: {  	_ =	swait.ge [sflag:s29], $0x1  }
0xbb: {  	[sflag:s29] =	ssyncadd.s32 $0xFFFFFFFF  }
0xbc: {  	_ =	strace $0x90000048  }
0xbd: {  	_ =	sfence  }
0xbe: {  	s30 =	sld [smem:$0x0];
	_ =	sdelay $0x2  }
0xbf: {  	s31 =	sshll.u32 s1, $0xD;
	s1 =	sshrl.u32 s1, $0x2  }
0xc0: {  	s3 =	sand.u32 $0x4000, s31;
	s1 =	sadd.s32 s1, s30  }
0xc1: {  	s0 =	sor.u32 s3, s0;
	s1 =	sshll.u32 s1, $0x11  }
0xc2: {  	s0 =	sor.u32 s1, s0  }
0xc3: {  	s0 =	sadd.s32 $0x8F2B, s0  }
0xc4: {  	[sflag:s0] =	ssyncadd.remote.s32 $0x1  }
0xc5: {  	_ =	sfence.sel $0xFFFF  }
0xc6: {  	[dreg:$0x0] =	wrdreg $0xFFFFFFFF;
	(pc) =	sbr.abs _section_cstart, $3  }
0xc7: {  	[dreg:$0x1] =	wrdreg $0xFFFFFFFF  }
0xc8: {  	_ =	task.clear_ibuf [dreg:s8], $0x2FFFF;
	_ =	strace $0x9FFFFFFF  }
0xc9: {  	(tm) =	ssettm $0x7FFFFFFF  }
tec
execute0_lowered:
.L_overlay_start_1:
0x0: {  	(tag) =	ssettag $0x1  }
0x1: {  	s1 =	rddreg [dreg:$0x0]  }
0x2: {  	s4 =	rddreg [dreg:$0x1]  }
0x3: {  	s5 =	rddreg [dreg:$0x2]  }
0x4: {  	s0 =	rddreg [dreg:$0x3];
	s2 =	simm.s32 $0x0  }
0x5: {  	s3 =	srdreg.scid;
	s10 =	simm.s32 $0x2;
	s11 =	simm.s32 $0x200  }
0x6: {  	s13 =	simm.s32 $0x800;
	[smem:$0x7FF] =	sst s2;
	s12 =	sand.u32 $0x1, s3  }
0x7: {  	s3 =	stileid.u32;
	_ =	strace $0x80000047;
	s6 =	sshll.u32 s12, $0xA  }
0x8: {  	s29 =	ssub.s32 $0x2, s12;
	s7 =	sshll.u32 s3, $0x9;
	s9 =	sshll.u32 s3, $0x3  }
0x9: {  	s30 =	sshll.u32 s3, $0xE;
	p0 =	seq.s32 s12, $0x1;
	s4 =	sadd.s32 s6, s4  }
0xa: {  	s8 =	sshrl.u32 s29, $0x1;
	s7 =	sand.u32 $0x200, s7;
	s9 =	sand.u32 $0x70, s9  }
0xb: {  	p1 =	seq.s32 @!p0 s12, $0x0;
	s12 =	simm.s32 $0x1;
	s4 =	sadd.s32 s7, s4  }
0xc: {  	s8 =	ssub.s32 s29, s8;
	p1 =	por p0, !p1;
	s31 =	sadd.s32 s9, s4  }
0xd: {  	s4 =	sadd.s32 s5, s30;
	s7 =	smax.u32 s8, $0x1;
	s8 =	simm.s32 $0x80  }
0xe: {  	s9 =	simm.s32 $0x400;
	s5 =	sadd.s32 $0xE00, s31;
	s6 =	sadd.s32 $0x80, s4  }
.LBB2_1:
0xf: {  	[tilespmem:s2], [sflag:$0x2] =	stream.strided.gather [hbm4b:s5+s8], $0x200, s9, s8, $0x38;
	[tilespmem:$0x10200] =	vst v63  }
0x10: {  	_ =	swait.ge [sflag:s10], $0x200  }
0x11: {  	[sflag:s10] =	ssyncset.done $0x0  }
0x12: {  	[sflag:s10] =	ssyncadd.s32 $0xFFFFFE00  }
0x13: {  	[tilespmem:s11], [sflag:$0x1] =	stream.indirect.gather [hbm4b:s1+s11], $0x80, s2, s11, $0xb8;
	[tilespmem:$0x10200] =	vst v63  }
0x14: {  	_ =	swait.ge [sflag:s12], $0x10000  }
0x15: {  	s14 =	simm.s32 @!p0 $0x400;
	[sflag:s12] =	ssyncset.done $0x0  }
0x16: {  	s15 =	simm.s32 @!p0 $0x800;
	s16 =	simm.s32 @!p0 $0x200;
	[sflag:s12] =	ssyncadd.s32 $0xFFFF0000  }
0x17: {  	[hbm4b:s4+s14] =	stream.strided.scatter @!p0 [tilespmem:s16], [sflag:$0x2], $0x10000, s15, s14, $0x38;
	[tilespmem:$0x10200] =	vst v63  }
0x18: {  	s14 =	simm.s32 @!p0 $0x2  }
0x19: {  	s7 =	sadd.s32 $0xFFFFFFFF, s7;
	_ =	swait.ge @!p0 [sflag:s14], $0x10000  }
0x1a: {  	p2 =	sne.s32 s7, $0x0;
	[sflag:s14] =	ssyncset.done @!p0 $0x0  }
.Ltmp0:
0x1b: {  	[sflag:s14] =	ssyncadd.s32 @!p0 $0xFFFF0000;
	(pc) =	sbr.rel @p2 .LBB2_1-.Ltmp0, $4  }
0x1c: {  	[hbm4b:s6+s9] =	stream.strided.scatter @p1 [tilespmem:s11], [sflag:$0x2], $0x10000, s13, s9, $0x38;
	[tilespmem:$0x10200] =	vst v63  }
0x1d: {  	_ =	swait.ge @p1 [sflag:s10], $0x10000  }
0x1e: {  	[sflag:s10] =	ssyncset.done @p1 $0x0  }
0x1f: {  	[sflag:s10] =	ssyncadd.s32 @p1 $0xFFFF0000  }
0x20: {  	_ =	sfence.sel $0x180000  }
0x21: {  	[bflag:$0x0] =	sbarrier.arrive $0xFFFF  }
0x22: {  	p0 =	sne.s32 s3, $0x0;
	_ =	strace $0x90000047  }
0x23: {  	s0 =	sadd.s32 @!p0 $0x100000, s0;
	[bflag:$0x2] =	sbarrier.arrive $0xFFFF  }
0x24: {  	[sflag:s0] =	ssyncadd.tile.s32 @!p0 $0x1;
	_ =	shalt  }
.Lfunc_end2:
_tile_overlayer_lowered:
.L_overlay_start_2:
0x25: {  	(tag) =	ssettag $0x2  }
0x26: {  	s0 =	rddreg [dreg:$0x0];
	s2 =	stileid.u32  }
0x27: {  	s1 =	rddreg [dreg:$0x1];
	p0 =	sne.s32 s2, $0x0  }
0x28: {  	s3 =	rddreg [dreg:$0x2];
	[bflag:$0x3] =	sbarrier.arrive $0xFFFF;
	s2 =	simm.s32 @!p0 $0x1C02  }
0x29: {  	[timem:s3], [sflag:s2] =	dma.local @!p0 [hbm:s0], s1  }
0x2a: {  	s0 =	simm.s32 @!p0 $0x2  }
0x2b: {  	_ =	swait.ge @!p0 [sflag:s0], s1  }
0x2c: {  	s1 =	ssub.s32 @!p0 $0x0, s1;
	[sflag:s0] =	ssyncset.done @!p0 $0x0  }
0x2d: {  	[sflag:s0] =	ssyncadd.s32 @!p0 s1  }
0x2e: {  	[bflag:$0x3] =	sbarrier.arrive $0xFFFF  }
0x2f: {  	_ =	shalt  }

</sc_bundles>
